<compile_context>
chip_gen: v7x
topology: tpu7x:2x2x1
jax: 0.10.2.dev20260603
libtpu: 0.0.44.dev20260713+nightly
codegen_flags: <defaults>
</compile_context>

<pallas_src>
import functools

import jax
import jax.numpy as jnp
from jax import lax
from jax.experimental import pallas as pl
from jax.experimental.pallas import tpu as pltpu
from jax.experimental.pallas import tpu_sc as plsc

CODEBOOK = 1024
FEATURES = 256
BATCH = 8
SEQ = 576
ROWS = BATCH * SEQ
BLOCK_ROWS = SEQ
NUM_BLOCKS = ROWS // BLOCK_ROWS


def _tc_body(q_ref, kt_ref, idx_ref, loss_ref, perp_ref, cnt_ref, l2k_ref):
    i = pl.program_id(0)
    qb = q_ref[...]
    kt = kt_ref[...]

    @pl.when(i == 0)
    def _prep():
        l2k_ref[...] = jnp.sum(kt * kt, axis=1, keepdims=True)

    sim_t = lax.dot_general(kt, qb, (((1,), (1,)), ((), ())),
                            preferred_element_type=jnp.float32)
    negdist = 2.0 * sim_t - l2k_ref[...]
    mx = jnp.max(negdist, axis=0, keepdims=True)
    eq = negdist == mx
    code_iota = lax.broadcasted_iota(
        jnp.int32, (CODEBOOK, BLOCK_ROWS), 0).astype(jnp.float32)
    cand = jnp.where(eq, code_iota, float(CODEBOOK))
    idx = jnp.min(cand, axis=0, keepdims=True).astype(jnp.int32)
    idx_ref[0, :, :] = idx

    eq_f = jnp.where(eq, 1.0, 0.0)
    cnt = lax.dot_general(eq_f, jnp.ones((BLOCK_ROWS, 1), jnp.float32),
                          (((1,), (0,)), ((), ())),
                          preferred_element_type=jnp.float32)
    block_loss = jnp.sum(qb * qb) - jnp.sum(mx)

    @pl.when(i == 0)
    def _init():
        cnt_ref[...] = cnt
        loss_ref[0, 0] = block_loss

    @pl.when(i > 0)
    def _acc():
        cnt_ref[...] += cnt
        loss_ref[0, 0] += block_loss

    @pl.when(i == NUM_BLOCKS - 1)
    def _final():
        loss_ref[0, 0] = loss_ref[0, 0] / float(ROWS * FEATURES)
        mean = cnt_ref[...] * (1.0 / ROWS)
        ent = jnp.sum(mean * jnp.log(mean + 1e-10))
        perp_ref[0, 0] = jnp.exp(-ent)


def _distance_argmin(q, emb):
    return pl.pallas_call(
        _tc_body,
        grid=(NUM_BLOCKS,),
        in_specs=[
            pl.BlockSpec((BLOCK_ROWS, FEATURES), lambda i: (i, 0)),
            pl.BlockSpec((CODEBOOK, FEATURES), lambda i: (0, 0)),
        ],
        out_specs=[
            pl.BlockSpec((1, 1, BLOCK_ROWS), lambda i: (i, 0, 0)),
            pl.BlockSpec(memory_space=pltpu.SMEM),
            pl.BlockSpec(memory_space=pltpu.SMEM),
        ],
        out_shape=[
            jax.ShapeDtypeStruct((NUM_BLOCKS, 1, BLOCK_ROWS), jnp.int32),
            jax.ShapeDtypeStruct((1, 1), jnp.float32),
            jax.ShapeDtypeStruct((1, 1), jnp.float32),
        ],
        scratch_shapes=[pltpu.VMEM((CODEBOOK, 1), jnp.float32),
                        pltpu.VMEM((CODEBOOK, 1), jnp.float32)],
        compiler_params=pltpu.CompilerParams(
            dimension_semantics=("arbitrary",)),
    )(q, emb)


def _sc_gather(emb, idx3):
    info = plsc.get_sparse_core_info()
    nw = info.num_cores * info.num_subcores
    per_w = ROWS // nw
    half = per_w // 2
    w_per_b = SEQ // per_w
    mesh = plsc.VectorSubcoreMesh(core_axis_name="c", subcore_axis_name="s")

    @functools.partial(
        pl.kernel, mesh=mesh,
        out_type=jax.ShapeDtypeStruct((BATCH, SEQ, FEATURES), jnp.float32),
        scratch_types=[
            pltpu.VMEM((SEQ,), jnp.int32),
            pltpu.VMEM((half, FEATURES), jnp.float32),
            pltpu.VMEM((half, FEATURES), jnp.float32),
            pltpu.SemaphoreType.DMA,
        ],
    )
    def gather(emb_hbm, idx_hbm, out_hbm, idxrow, rows0, rows1, sem):
        wid = lax.axis_index("s") * info.num_cores + lax.axis_index("c")
        b = wid // w_per_b
        off = (wid % w_per_b) * per_w
        pltpu.sync_copy(idx_hbm.at[b, 0], idxrow)
        cp0 = pltpu.async_copy(emb_hbm.at[idxrow.at[pl.ds(off, half)]],
                               rows0, sem)
        cp1 = pltpu.async_copy(emb_hbm.at[idxrow.at[pl.ds(off + half, half)]],
                               rows1, sem)
        cp0.wait()
        cp1.wait()
        pltpu.sync_copy(rows0, out_hbm.at[b, pl.ds(off, half)])
        pltpu.sync_copy(rows1, out_hbm.at[b, pl.ds(off + half, half)])

    return gather(emb, idx3)


def kernel(x, emb):
    b, n, d = x.shape
    q = x.reshape(b * n, d)
    idx3, loss11, perp11 = _distance_argmin(q, emb)
    quantized = _sc_gather(emb, idx3)
    loss = loss11.reshape(())
    perp = perp11.reshape((1,))
    return quantized, loss, idx3, perp

# --- scband reference (transcript-rebuilt; emitter-appended) ---
"""Pipeline reference for scband-vq-12275016532437 (READ-ONLY COPY).

The authoritative reference and input builder live on the scoring server;
editing this copy changes nothing except your own understanding.
"""

import jax, jax.numpy as jnp
import numpy as np

CODEBOOK_SIZE = 1024
FEATURES = 256
B, N = 8, 576

def setup_inputs(seed: int = 0) -> dict:
    key = jax.random.key(seed)
    k1, k2 = jax.random.split(key)
    x = jax.random.normal(k1, (B, N, FEATURES), dtype=jnp.float32)
    # kaiming_uniform_ on [codebook_size, features]: bound = sqrt(6 / fan_in), fan_in = features
    bound = float(np.sqrt(6.0 / FEATURES))
    emb = jax.random.uniform(k2, (CODEBOOK_SIZE, FEATURES), minval=-bound, maxval=bound, dtype=jnp.float32)
    return {"x": x, "emb": emb}

def reference(x, emb):
    b, n, d = x.shape
    m = emb.shape[0]
    q = x.reshape(b * n, d)
    k = emb
    # distances: ||q||^2 + ||k||^2 - 2 q.k
    l2_q = jnp.sum(q ** 2, axis=-1, keepdims=True)          # (bn, 1)
    l2_k = jnp.sum(k ** 2, axis=-1)                          # (m,)
    sim = q @ k.T                                            # (bn, m)
    dist = l2_q + l2_k - 2.0 * sim
    similarity = -dist
    # temperature == 0.0 -> pure argmax
    indices = jnp.argmax(similarity, axis=1)                 # (bn,)
    onehot = jax.nn.one_hot(indices, m, dtype=jnp.float32)   # (bn, m)
    z = onehot @ k                                           # (bn, d) == embedding gather
    # straight-through estimator (training-mode value identical to eval)
    z = q + jax.lax.stop_gradient(z - q)
    quantized = z.reshape(b, n, d)
    # info dict contents
    loss = jnp.mean((jax.lax.stop_gradient(quantized) - x) ** 2)
    indices_out = indices.reshape(b, 1, n)
    onehot4 = onehot.reshape(b, 1, n, m)
    mean = jnp.mean(onehot4, axis=(0, 2))                    # (1, m)
    perp = jnp.exp(-jnp.sum(mean * jnp.log(mean + 1e-10), axis=-1))  # (1,)
    return quantized, loss, indices_out, perp

if __name__ == "__main__":
    import jax
    _d = setup_inputs()
    print(jax.jit(kernel)(*tuple(_d.values())))

</pallas_src>

<mosaic_0001>
#map = affine_map<(d0, d1) -> (0, 0)>
#map1 = affine_map<(d0, d1) -> (0, 0, 0)>
module attributes {stable_mosaic.version = 14 : i64} {
  func.func @gather(%arg0: i32, %arg1: i32, %arg2: memref<1024x256xf32, #tpu.memory_space<hbm>>, %arg3: memref<8x1x576xi32, #tpu.memory_space<hbm>>, %arg4: memref<8x576x256xf32, #tpu.memory_space<hbm>>, %arg5: memref<576xi32, #tpu.memory_space<vmem>>, %arg6: memref<72x256xf32, #tpu.memory_space<vmem>>, %arg7: memref<72x256xf32, #tpu.memory_space<vmem>>, %arg8: memref<!tpu.dma_semaphore, #tpu.memory_space<semaphore_mem>>) attributes {dimension_semantics = [#tpu.dimension_semantics<core_parallel>, #tpu.dimension_semantics<subcore_parallel>], iteration_bounds = array<i64: 2, 16>, scalar_prefetch = 0 : i64, scratch_operands = 4 : i64, tpu.core_type = #tpu.core_type<sc_vector_subcore>, window_params = [{transform_indices = #map}, {transform_indices = #map1}, {transform_indices = #map1}]} {
    %mul3A = arith.constant 2 : i32
    %mul3A_0 = arith.muli %arg1, %mul3A : i32
    %add3A = arith.addi %mul3A_0, %arg0 : i32
    %jit3A = arith.constant 4 : i32
    %div3A = arith.divsi %add3A, %jit3A : i32
    %sign3A = arith.constant 0 : i32
    %sign3A_1 = arith.cmpi sgt, %add3A, %sign3A : i32
    %sign3A_2 = arith.extui %sign3A_1 : i1 to i32
    %sign3A_3 = arith.constant 0 : i32
    %sign3A_4 = arith.cmpi slt, %add3A, %sign3A_3 : i32
    %sign3A_5 = arith.extui %sign3A_4 : i1 to i32
    %sign3A_6 = arith.subi %sign3A_2, %sign3A_5 : i32
    %sign3A_7 = arith.constant 0 : i32
    %sign3A_8 = arith.cmpi sgt, %jit3A, %sign3A_7 : i32
    %sign3A_9 = arith.extui %sign3A_8 : i1 to i32
    %sign3A_10 = arith.constant 0 : i32
    %sign3A_11 = arith.cmpi slt, %jit3A, %sign3A_10 : i32
    %sign3A_12 = arith.extui %sign3A_11 : i1 to i32
    %sign3A_13 = arith.subi %sign3A_9, %sign3A_12 : i32
    %ne3A = arith.cmpi ne, %sign3A_6, %sign3A_13 : i32
    %rem3A = arith.remsi %add3A, %jit3A : i32
    %ne3A_14 = arith.constant 0 : i32
    %ne3A_15 = arith.cmpi ne, %rem3A, %ne3A_14 : i32
    %and3A = arith.andi %ne3A, %ne3A_15 : i1
    %sub3A = arith.constant 1 : i32
    %sub3A_16 = arith.subi %div3A, %sub3A : i32
    %select_n3A = arith.select %and3A, %sub3A_16, %div3A : i32
    %jit3A_17 = arith.constant 4 : i32
    %eq3A = arith.constant 0 : i32
    %eq3A_18 = arith.cmpi eq, %jit3A_17, %eq3A : i32
    %jit3A_19 = arith.constant 1 : i32
    %select_n3A_20 = arith.select %eq3A_18, %jit3A_19, %jit3A_17 : i32
    %rem3A_21 = arith.remsi %add3A, %select_n3A_20 : i32
    %ne3A_22 = arith.constant 0 : i32
    %ne3A_23 = arith.cmpi ne, %rem3A_21, %ne3A_22 : i32
    %lt3A = arith.constant 0 : i32
    %lt3A_24 = arith.cmpi slt, %rem3A_21, %lt3A : i32
    %lt3A_25 = arith.constant 0 : i32
    %lt3A_26 = arith.cmpi slt, %select_n3A_20, %lt3A_25 : i32
    %ne3A_27 = arith.xori %lt3A_24, %lt3A_26 : i1
    %and3A_28 = arith.andi %ne3A_27, %ne3A_23 : i1
    %add3A_29 = arith.addi %rem3A_21, %select_n3A_20 : i32
    %select_n3A_30 = arith.select %and3A_28, %add3A_29, %rem3A_21 : i32
    %mul3A_31 = arith.constant 144 : i32
    %mul3A_32 = arith.muli %select_n3A_30, %mul3A_31 : i32
    %run_scoped3A = arith.constant 0 : i32
    "tpu.region"() ({
      %run_scoped3A_51 = tpu.sem_alloc : memref<!tpu.dma_semaphore, #tpu.memory_space<semaphore_mem>>
      %dma_start3A_52 = arith.constant 0 : i32
      %dma_start3A_53 = tpu.memref_slice %arg3[%select_n3A, %run_scoped3A, %dma_start3A_52] : memref<8x1x576xi32, #tpu.memory_space<hbm>> -> memref<1x1x576xi32, #tpu.memory_space<hbm>>
      %dma_start3A_54 = tpu.memref_squeeze %dma_start3A_53 : memref<1x1x576xi32, #tpu.memory_space<hbm>> -> memref<576xi32, #tpu.memory_space<hbm>>
      %dma_start3A_55 = arith.constant 0 : i32
      %dma_start3A_56 = tpu.memref_slice %arg3[%select_n3A, %run_scoped3A, %dma_start3A_55] : memref<8x1x576xi32, #tpu.memory_space<hbm>> -> memref<1x1x576xi32, #tpu.memory_space<hbm>>
      %dma_start3A_57 = tpu.memref_squeeze %dma_start3A_56 : memref<1x1x576xi32, #tpu.memory_space<hbm>> -> memref<576xi32, #tpu.memory_space<hbm>>
      tpu.enqueue_dma source(%dma_start3A_57 : memref<576xi32, #tpu.memory_space<hbm>>) target(%arg5 : memref<576xi32, #tpu.memory_space<vmem>>) target_semaphore(%run_scoped3A_51 : memref<!tpu.dma_semaphore, #tpu.memory_space<semaphore_mem>>)
      %dma_wait3A_58 = arith.constant 0 : i32
      %dma_wait3A_59 = tpu.memref_slice %arg3[%select_n3A, %run_scoped3A, %dma_wait3A_58] : memref<8x1x576xi32, #tpu.memory_space<hbm>> -> memref<1x1x576xi32, #tpu.memory_space<hbm>>
      %dma_wait3A_60 = tpu.memref_squeeze %dma_wait3A_59 : memref<1x1x576xi32, #tpu.memory_space<hbm>> -> memref<576xi32, #tpu.memory_space<hbm>>
      %dma_wait3A_61 = arith.constant 0 : i32
      %dma_wait3A_62 = tpu.memref_slice %arg3[%select_n3A, %run_scoped3A, %dma_wait3A_61] : memref<8x1x576xi32, #tpu.memory_space<hbm>> -> memref<1x1x576xi32, #tpu.memory_space<hbm>>
      %dma_wait3A_63 = tpu.memref_squeeze %dma_wait3A_62 : memref<1x1x576xi32, #tpu.memory_space<hbm>> -> memref<576xi32, #tpu.memory_space<hbm>>
      tpu.wait_dma2 semaphore(%run_scoped3A_51 : memref<!tpu.dma_semaphore, #tpu.memory_space<semaphore_mem>>) src(%dma_wait3A_63 : memref<576xi32, #tpu.memory_space<hbm>>) dst(%arg5 : memref<576xi32, #tpu.memory_space<vmem>>)
      tpu.yield
    }) : () -> ()
    %dma_start3A = tpu.memref_slice %arg5[%mul3A_32] : memref<576xi32, #tpu.memory_space<vmem>> -> memref<72xi32, #tpu.memory_space<vmem>>
    %dma_start3A_33 = arith.constant 0 : i32
    %dma_start3A_34 = arith.constant 0 : i32
    %dma_start3A_35 = tpu.memref_slice %arg2[%dma_start3A_33, %dma_start3A_34] : memref<1024x256xf32, #tpu.memory_space<hbm>> -> memref<1024x256xf32, #tpu.memory_space<hbm>>
    tpu.enqueue_indirect_dma source(%dma_start3A_35 : memref<1024x256xf32, #tpu.memory_space<hbm>>) target(%arg6 : memref<72x256xf32, #tpu.memory_space<vmem>>) offsets(%dma_start3A : memref<72xi32, #tpu.memory_space<vmem>>) semaphore(%arg8 : memref<!tpu.dma_semaphore, #tpu.memory_space<semaphore_mem>>)
    %add3A_36 = arith.constant 72 : i32
    %add3A_37 = arith.addi %mul3A_32, %add3A_36 : i32
    %dma_start3A_38 = tpu.memref_slice %arg5[%add3A_37] : memref<576xi32, #tpu.memory_space<vmem>> -> memref<72xi32, #tpu.memory_space<vmem>>
    %dma_start3A_39 = arith.constant 0 : i32
    %dma_start3A_40 = arith.constant 0 : i32
    %dma_start3A_41 = tpu.memref_slice %arg2[%dma_start3A_39, %dma_start3A_40] : memref<1024x256xf32, #tpu.memory_space<hbm>> -> memref<1024x256xf32, #tpu.memory_space<hbm>>
    tpu.enqueue_indirect_dma source(%dma_start3A_41 : memref<1024x256xf32, #tpu.memory_space<hbm>>) target(%arg7 : memref<72x256xf32, #tpu.memory_space<vmem>>) offsets(%dma_start3A_38 : memref<72xi32, #tpu.memory_space<vmem>>) semaphore(%arg8 : memref<!tpu.dma_semaphore, #tpu.memory_space<semaphore_mem>>)
    %dma_wait3A = tpu.memref_slice %arg5[%mul3A_32] : memref<576xi32, #tpu.memory_space<vmem>> -> memref<72xi32, #tpu.memory_space<vmem>>
    %dma_wait3A_42 = arith.constant 0 : i32
    %dma_wait3A_43 = arith.constant 0 : i32
    %dma_wait3A_44 = tpu.memref_slice %arg2[%dma_wait3A_42, %dma_wait3A_43] : memref<1024x256xf32, #tpu.memory_space<hbm>> -> memref<1024x256xf32, #tpu.memory_space<hbm>>
    tpu.wait_indirect_dma semaphore(%arg8 : memref<!tpu.dma_semaphore, #tpu.memory_space<semaphore_mem>>) src(%dma_wait3A_44 : memref<1024x256xf32, #tpu.memory_space<hbm>>) dst(%arg6 : memref<72x256xf32, #tpu.memory_space<vmem>>)
    %dma_wait3A_45 = tpu.memref_slice %arg5[%add3A_37] : memref<576xi32, #tpu.memory_space<vmem>> -> memref<72xi32, #tpu.memory_space<vmem>>
    %dma_wait3A_46 = arith.constant 0 : i32
    %dma_wait3A_47 = arith.constant 0 : i32
    %dma_wait3A_48 = tpu.memref_slice %arg2[%dma_wait3A_46, %dma_wait3A_47] : memref<1024x256xf32, #tpu.memory_space<hbm>> -> memref<1024x256xf32, #tpu.memory_space<hbm>>
    tpu.wait_indirect_dma semaphore(%arg8 : memref<!tpu.dma_semaphore, #tpu.memory_space<semaphore_mem>>) src(%dma_wait3A_48 : memref<1024x256xf32, #tpu.memory_space<hbm>>) dst(%arg7 : memref<72x256xf32, #tpu.memory_space<vmem>>)
    "tpu.region"() ({
      %run_scoped3A_51 = tpu.sem_alloc : memref<!tpu.dma_semaphore, #tpu.memory_space<semaphore_mem>>
      %dma_start3A_52 = arith.constant 0 : i32
      %dma_start3A_53 = tpu.memref_slice %arg4[%select_n3A, %mul3A_32, %dma_start3A_52] : memref<8x576x256xf32, #tpu.memory_space<hbm>> -> memref<1x72x256xf32, #tpu.memory_space<hbm>>
      %dma_start3A_54 = tpu.memref_squeeze %dma_start3A_53 : memref<1x72x256xf32, #tpu.memory_space<hbm>> -> memref<72x256xf32, #tpu.memory_space<hbm>>
      %dma_start3A_55 = arith.constant 0 : i32
      %dma_start3A_56 = tpu.memref_slice %arg4[%select_n3A, %mul3A_32, %dma_start3A_55] : memref<8x576x256xf32, #tpu.memory_space<hbm>> -> memref<1x72x256xf32, #tpu.memory_space<hbm>>
      %dma_start3A_57 = tpu.memref_squeeze %dma_start3A_56 : memref<1x72x256xf32, #tpu.memory_space<hbm>> -> memref<72x256xf32, #tpu.memory_space<hbm>>
      tpu.enqueue_dma source(%arg6 : memref<72x256xf32, #tpu.memory_space<vmem>>) target(%dma_start3A_57 : memref<72x256xf32, #tpu.memory_space<hbm>>) target_semaphore(%run_scoped3A_51 : memref<!tpu.dma_semaphore, #tpu.memory_space<semaphore_mem>>)
      %dma_wait3A_58 = arith.constant 0 : i32
      %dma_wait3A_59 = tpu.memref_slice %arg4[%select_n3A, %mul3A_32, %dma_wait3A_58] : memref<8x576x256xf32, #tpu.memory_space<hbm>> -> memref<1x72x256xf32, #tpu.memory_space<hbm>>
      %dma_wait3A_60 = tpu.memref_squeeze %dma_wait3A_59 : memref<1x72x256xf32, #tpu.memory_space<hbm>> -> memref<72x256xf32, #tpu.memory_space<hbm>>
      %dma_wait3A_61 = arith.constant 0 : i32
      %dma_wait3A_62 = tpu.memref_slice %arg4[%select_n3A, %mul3A_32, %dma_wait3A_61] : memref<8x576x256xf32, #tpu.memory_space<hbm>> -> memref<1x72x256xf32, #tpu.memory_space<hbm>>
      %dma_wait3A_63 = tpu.memref_squeeze %dma_wait3A_62 : memref<1x72x256xf32, #tpu.memory_space<hbm>> -> memref<72x256xf32, #tpu.memory_space<hbm>>
      tpu.wait_dma2 semaphore(%run_scoped3A_51 : memref<!tpu.dma_semaphore, #tpu.memory_space<semaphore_mem>>) src(%arg6 : memref<72x256xf32, #tpu.memory_space<vmem>>) dst(%dma_wait3A_63 : memref<72x256xf32, #tpu.memory_space<hbm>>)
      tpu.yield
    }) : () -> ()
    %add3A_49 = arith.constant 72 : i32
    %add3A_50 = arith.addi %mul3A_32, %add3A_49 : i32
    "tpu.region"() ({
      %run_scoped3A_51 = tpu.sem_alloc : memref<!tpu.dma_semaphore, #tpu.memory_space<semaphore_mem>>
      %dma_start3A_52 = arith.constant 0 : i32
      %dma_start3A_53 = tpu.memref_slice %arg4[%select_n3A, %add3A_50, %dma_start3A_52] : memref<8x576x256xf32, #tpu.memory_space<hbm>> -> memref<1x72x256xf32, #tpu.memory_space<hbm>>
      %dma_start3A_54 = tpu.memref_squeeze %dma_start3A_53 : memref<1x72x256xf32, #tpu.memory_space<hbm>> -> memref<72x256xf32, #tpu.memory_space<hbm>>
      %dma_start3A_55 = arith.constant 0 : i32
      %dma_start3A_56 = tpu.memref_slice %arg4[%select_n3A, %add3A_50, %dma_start3A_55] : memref<8x576x256xf32, #tpu.memory_space<hbm>> -> memref<1x72x256xf32, #tpu.memory_space<hbm>>
      %dma_start3A_57 = tpu.memref_squeeze %dma_start3A_56 : memref<1x72x256xf32, #tpu.memory_space<hbm>> -> memref<72x256xf32, #tpu.memory_space<hbm>>
      tpu.enqueue_dma source(%arg7 : memref<72x256xf32, #tpu.memory_space<vmem>>) target(%dma_start3A_57 : memref<72x256xf32, #tpu.memory_space<hbm>>) target_semaphore(%run_scoped3A_51 : memref<!tpu.dma_semaphore, #tpu.memory_space<semaphore_mem>>)
      %dma_wait3A_58 = arith.constant 0 : i32
      %dma_wait3A_59 = tpu.memref_slice %arg4[%select_n3A, %add3A_50, %dma_wait3A_58] : memref<8x576x256xf32, #tpu.memory_space<hbm>> -> memref<1x72x256xf32, #tpu.memory_space<hbm>>
      %dma_wait3A_60 = tpu.memref_squeeze %dma_wait3A_59 : memref<1x72x256xf32, #tpu.memory_space<hbm>> -> memref<72x256xf32, #tpu.memory_space<hbm>>
      %dma_wait3A_61 = arith.constant 0 : i32
      %dma_wait3A_62 = tpu.memref_slice %arg4[%select_n3A, %add3A_50, %dma_wait3A_61] : memref<8x576x256xf32, #tpu.memory_space<hbm>> -> memref<1x72x256xf32, #tpu.memory_space<hbm>>
      %dma_wait3A_63 = tpu.memref_squeeze %dma_wait3A_62 : memref<1x72x256xf32, #tpu.memory_space<hbm>> -> memref<72x256xf32, #tpu.memory_space<hbm>>
      tpu.wait_dma2 semaphore(%run_scoped3A_51 : memref<!tpu.dma_semaphore, #tpu.memory_space<semaphore_mem>>) src(%arg7 : memref<72x256xf32, #tpu.memory_space<vmem>>) dst(%dma_wait3A_63 : memref<72x256xf32, #tpu.memory_space<hbm>>)
      tpu.yield
    }) : () -> ()
    return
  }
}

module attributes {stable_mosaic.version = 14 : i64} {
  func.func @_tc_body(%arg0: i32, %arg1: memref<576x256xf32, #tpu.memory_space<vmem>>, %arg2: memref<1024x256xf32, #tpu.memory_space<vmem>>, %arg3: memref<1x1x576xi32, #tpu.memory_space<vmem>>, %arg4: memref<1x1xf32, #tpu.memory_space<smem>>, %arg5: memref<1x1xf32, #tpu.memory_space<smem>>, %arg6: memref<1024x1xf32, #tpu.memory_space<vmem>>, %arg7: memref<1024x1xf32, #tpu.memory_space<vmem>>) attributes {dimension_semantics = [#tpu.dimension_semantics<arbitrary>], iteration_bounds = array<i64: 8>, scalar_prefetch = 0 : i64, scratch_operands = 2 : i64, tpu.core_type = #tpu.core_type<tc>, window_params = [{transform_indices = @transform_0, window_bounds = array<i64: 576, 256>}, {pipeline_mode = #tpu.pipeline_mode<synchronous>, transform_indices = @transform_1, window_bounds = array<i64: 1024, 256>}, {transform_indices = @transform_2, window_bounds = array<i64: 1, 1, 576>}, {transform_indices = @transform_3, window_bounds = array<i64: 1, 1>}, {transform_indices = @transform_4, window_bounds = array<i64: 1, 1>}]} {
    %get3A = arith.constant 0 : index
    %get3A_0 = arith.constant 0 : index
    %get3A_1 = vector.load %arg1[%get3A, %get3A_0] : memref<576x256xf32, #tpu.memory_space<vmem>>, vector<576x256xf32>
    %get3A_2 = arith.constant 0 : index
    %get3A_3 = arith.constant 0 : index
    %get3A_4 = vector.load %arg2[%get3A_2, %get3A_3] : memref<1024x256xf32, #tpu.memory_space<vmem>>, vector<1024x256xf32>
    %eq3A = arith.constant 0 : i32
    %eq3A_5 = arith.cmpi eq, %arg0, %eq3A : i32
    %convert_element_type3A = arith.extui %eq3A_5 : i1 to i32
    %cond3A = arith.constant 0 : i32
    %cond3A_6 = arith.cmpi ne, %convert_element_type3A, %cond3A : i32
    scf.if %cond3A_6 {
      %mul3A_61 = arith.mulf %get3A_4, %get3A_4 : vector<1024x256xf32>
      %reduce_sum3A_62 = arith.constant dense<0.000000e+00> : vector<1024xf32>
      %reduce_sum3A_63 = vector.multi_reduction <add>, %mul3A_61, %reduce_sum3A_62 [1] : vector<1024x256xf32> to vector<1024xf32>
      %broadcast_in_dim3A_64 = vector.shape_cast %reduce_sum3A_63 : vector<1024xf32> to vector<1024x1xf32>
      %swap3A_65 = arith.constant 0 : index
      %swap3A_66 = arith.constant 0 : index
      %swap3A_67 = vector.load %arg7[%swap3A_65, %swap3A_66] : memref<1024x1xf32, #tpu.memory_space<vmem>>, vector<1024x1xf32>
      tpu.vector_store %arg7[%swap3A_65, %swap3A_66], %broadcast_in_dim3A_64 {strides = array<i32>} : memref<1024x1xf32, #tpu.memory_space<vmem>>, vector<1024x1xf32>,
    } else {
    }
    %dot_general3A = arith.constant dense<0.000000e+00> : vector<1024x576xf32>
    %dot_general3A_7 = tpu.matmul %get3A_4, %get3A_1, %dot_general3A {dimension_numbers = #tpu.dot_dimension_numbers<[1], [1], [0], [0], [0, 0, 1, 0], [], []>, transpose_lhs_hint = false} : vector<1024x256xf32>, vector<576x256xf32>, vector<1024x576xf32> -> vector<1024x576xf32>
    %mul3A = arith.constant 2.000000e+00 : f32
    %mul3A_8 = vector.broadcast %mul3A : f32 to vector<1024x576xf32>
    %mul3A_9 = arith.mulf %mul3A_8, %dot_general3A_7 : vector<1024x576xf32>
    %get3A_10 = arith.constant 0 : index
    %get3A_11 = arith.constant 0 : index
    %get3A_12 = vector.load %arg7[%get3A_10, %get3A_11] : memref<1024x1xf32, #tpu.memory_space<vmem>>, vector<1024x1xf32>
    %sub3A = vector.broadcast %get3A_12 : vector<1024x1xf32> to vector<1024x576xf32>
    %sub3A_13 = arith.subf %mul3A_9, %sub3A : vector<1024x576xf32>
    %reduce_max3A = arith.constant dense<0xFF800000> : vector<576xf32>
    %reduce_max3A_14 = vector.multi_reduction <maximumf>, %sub3A_13, %reduce_max3A [0] : vector<1024x576xf32> to vector<576xf32>
    %broadcast_in_dim3A = vector.shape_cast %reduce_max3A_14 : vector<576xf32> to vector<1x576xf32>
    %eq3A_15 = vector.broadcast %broadcast_in_dim3A : vector<1x576xf32> to vector<1024x576xf32>
    %eq3A_16 = arith.cmpf oeq, %sub3A_13, %eq3A_15 : vector<1024x576xf32>
    %iota3A = tpu.iota {dimensions = array<i32: 0>} : vector<1024x576xi32>
    %convert_element_type3A_17 = arith.sitofp %iota3A : vector<1024x576xi32> to vector<1024x576xf32>
    %jit3A = arith.constant 1.024000e+03 : f32
    %broadcast_in_dim3A_18 = vector.broadcast %jit3A : f32 to vector<1024x576xf32>
    %select_n3A = arith.select %eq3A_16, %convert_element_type3A_17, %broadcast_in_dim3A_18 : vector<1024x576xi1>, vector<1024x576xf32>
    %reduce_min3A = arith.constant dense<0x7F800000> : vector<576xf32>
    %reduce_min3A_19 = vector.multi_reduction <minimumf>, %select_n3A, %reduce_min3A [0] : vector<1024x576xf32> to vector<576xf32>
    %broadcast_in_dim3A_20 = vector.shape_cast %reduce_min3A_19 : vector<576xf32> to vector<1x576xf32>
    %convert_element_type3A_21 = arith.fptosi %broadcast_in_dim3A_20 : vector<1x576xf32> to vector<1x576xi32>
    %swap3A = arith.constant 0 : index
    %swap3A_22 = arith.constant 0 : index
    %swap3A_23 = arith.constant 0 : index
    %swap3A_24 = vector.load %arg3[%swap3A, %swap3A_22, %swap3A_23] : memref<1x1x576xi32, #tpu.memory_space<vmem>>, vector<1x1x576xi32>
    %swap3A_25 = vector.shape_cast %swap3A_24 : vector<1x1x576xi32> to vector<1x576xi32>
    %swap3A_26 = vector.shape_cast %convert_element_type3A_21 : vector<1x576xi32> to vector<1x1x576xi32>
    tpu.vector_store %arg3[%swap3A, %swap3A_22, %swap3A_23], %swap3A_26 {strides = array<i32>} : memref<1x1x576xi32, #tpu.memory_space<vmem>>, vector<1x1x576xi32>,
    %jit3A_27 = arith.constant 1.000000e+00 : f32
    %jit3A_28 = arith.constant 0.000000e+00 : f32
    %broadcast_in_dim3A_29 = vector.broadcast %jit3A_27 : f32 to vector<1024x576xf32>
    %broadcast_in_dim3A_30 = vector.broadcast %jit3A_28 : f32 to vector<1024x576xf32>
    %select_n3A_31 = arith.select %eq3A_16, %broadcast_in_dim3A_29, %broadcast_in_dim3A_30 : vector<1024x576xi1>, vector<1024x576xf32>
    %broadcast_in_dim3A_32 = arith.constant 1.000000e+00 : f32
    %broadcast_in_dim3A_33 = vector.broadcast %broadcast_in_dim3A_32 : f32 to vector<576x1xf32>
    %dot_general3A_34 = arith.constant dense<0.000000e+00> : vector<1024x1xf32>
    %dot_general3A_35 = tpu.matmul %select_n3A_31, %broadcast_in_dim3A_33, %dot_general3A_34 {dimension_numbers = #tpu.dot_dimension_numbers<[1], [0], [0], [1], [0, 0, 1, 1], [], []>, transpose_lhs_hint = false} : vector<1024x576xf32>, vector<576x1xf32>, vector<1024x1xf32> -> vector<1024x1xf32>
    %mul3A_36 = arith.mulf %get3A_1, %get3A_1 : vector<576x256xf32>
    %reduce_sum3A = vector.shape_cast %mul3A_36 : vector<576x256xf32> to vector<1x576x256xf32>
    %reduce_sum3A_37 = arith.constant dense<0.000000e+00> : vector<1xf32>
    %reduce_sum3A_38 = vector.multi_reduction <add>, %reduce_sum3A, %reduce_sum3A_37 [1, 2] : vector<1x576x256xf32> to vector<1xf32>
    %reduce_sum3A_39 = vector.shape_cast %reduce_sum3A_38 : vector<1xf32> to vector<1x1x1xf32>
    %reduce_sum3A_40 = vector.extract %reduce_sum3A_39[0, 0, 0] : f32 from vector<1x1x1xf32>
    %reduce_sum3A_41 = vector.shape_cast %broadcast_in_dim3A : vector<1x576xf32> to vector<1x1x576xf32>
    %reduce_sum3A_42 = arith.constant dense<0.000000e+00> : vector<1xf32>
    %reduce_sum3A_43 = vector.multi_reduction <add>, %reduce_sum3A_41, %reduce_sum3A_42 [1, 2] : vector<1x1x576xf32> to vector<1xf32>
    %reduce_sum3A_44 = vector.shape_cast %reduce_sum3A_43 : vector<1xf32> to vector<1x1x1xf32>
    %reduce_sum3A_45 = vector.extract %reduce_sum3A_44[0, 0, 0] : f32 from vector<1x1x1xf32>
    %sub3A_46 = arith.subf %reduce_sum3A_40, %reduce_sum3A_45 : f32
    %eq3A_47 = arith.constant 0 : i32
    %eq3A_48 = arith.cmpi eq, %arg0, %eq3A_47 : i32
    %convert_element_type3A_49 = arith.extui %eq3A_48 : i1 to i32
    %cond3A_50 = arith.constant 0 : i32
    %cond3A_51 = arith.cmpi ne, %convert_element_type3A_49, %cond3A_50 : i32
    scf.if %cond3A_51 {
      %swap3A_61 = arith.constant 0 : index
      %swap3A_62 = arith.constant 0 : index
      %swap3A_63 = vector.load %arg6[%swap3A_61, %swap3A_62] : memref<1024x1xf32, #tpu.memory_space<vmem>>, vector<1024x1xf32>
      tpu.vector_store %arg6[%swap3A_61, %swap3A_62], %dot_general3A_35 {strides = array<i32>} : memref<1024x1xf32, #tpu.memory_space<vmem>>, vector<1024x1xf32>,
      %swap3A_64 = arith.constant 0 : index
      %swap3A_65 = arith.constant 0 : index
      %swap3A_66 = memref.load %arg4[%swap3A_64, %swap3A_65] : memref<1x1xf32, #tpu.memory_space<smem>>
      memref.store %sub3A_46, %arg4[%swap3A_64, %swap3A_65] : memref<1x1xf32, #tpu.memory_space<smem>>
    } else {
    }
    %gt3A = arith.constant 0 : i32
    %gt3A_52 = arith.cmpi sgt, %arg0, %gt3A : i32
    %convert_element_type3A_53 = arith.extui %gt3A_52 : i1 to i32
    %cond3A_54 = arith.constant 0 : i32
    %cond3A_55 = arith.cmpi ne, %convert_element_type3A_53, %cond3A_54 : i32
    scf.if %cond3A_55 {
      %get3A_61 = arith.constant 0 : index
      %get3A_62 = arith.constant 0 : index
      %get3A_63 = vector.load %arg6[%get3A_61, %get3A_62] : memref<1024x1xf32, #tpu.memory_space<vmem>>, vector<1024x1xf32>
      %add3A = arith.addf %get3A_63, %dot_general3A_35 : vector<1024x1xf32>
      %swap3A_64 = arith.constant 0 : index
      %swap3A_65 = arith.constant 0 : index
      %swap3A_66 = vector.load %arg6[%swap3A_64, %swap3A_65] : memref<1024x1xf32, #tpu.memory_space<vmem>>, vector<1024x1xf32>
      tpu.vector_store %arg6[%swap3A_64, %swap3A_65], %add3A {strides = array<i32>} : memref<1024x1xf32, #tpu.memory_space<vmem>>, vector<1024x1xf32>,
      %get3A_67 = arith.constant 0 : index
      %get3A_68 = arith.constant 0 : index
      %get3A_69 = memref.load %arg4[%get3A_67, %get3A_68] : memref<1x1xf32, #tpu.memory_space<smem>>
      %add3A_70 = arith.addf %get3A_69, %sub3A_46 : f32
      %swap3A_71 = arith.constant 0 : index
      %swap3A_72 = arith.constant 0 : index
      %swap3A_73 = memref.load %arg4[%swap3A_71, %swap3A_72] : memref<1x1xf32, #tpu.memory_space<smem>>
      memref.store %add3A_70, %arg4[%swap3A_71, %swap3A_72] : memref<1x1xf32, #tpu.memory_space<smem>>
    } else {
    }
    %eq3A_56 = arith.constant 7 : i32
    %eq3A_57 = arith.cmpi eq, %arg0, %eq3A_56 : i32
    %convert_element_type3A_58 = arith.extui %eq3A_57 : i1 to i32
    %cond3A_59 = arith.constant 0 : i32
    %cond3A_60 = arith.cmpi ne, %convert_element_type3A_58, %cond3A_59 : i32
    scf.if %cond3A_60 {
      %get3A_61 = arith.constant 0 : index
      %get3A_62 = arith.constant 0 : index
      %get3A_63 = memref.load %arg4[%get3A_61, %get3A_62] : memref<1x1xf32, #tpu.memory_space<smem>>
      %div3A = arith.constant 0x49900000 : f32
      %div3A_64 = arith.divf %get3A_63, %div3A : f32
      %swap3A_65 = arith.constant 0 : index
      %swap3A_66 = arith.constant 0 : index
      %swap3A_67 = memref.load %arg4[%swap3A_65, %swap3A_66] : memref<1x1xf32, #tpu.memory_space<smem>>
      memref.store %div3A_64, %arg4[%swap3A_65, %swap3A_66] : memref<1x1xf32, #tpu.memory_space<smem>>
      %get3A_68 = arith.constant 0 : index
      %get3A_69 = arith.constant 0 : index
      %get3A_70 = vector.load %arg6[%get3A_68, %get3A_69] : memref<1024x1xf32, #tpu.memory_space<vmem>>, vector<1024x1xf32>
      %mul3A_71 = arith.constant 2.17013891E-4 : f32
      %mul3A_72 = vector.broadcast %mul3A_71 : f32 to vector<1024x1xf32>
      %mul3A_73 = arith.mulf %get3A_70, %mul3A_72 : vector<1024x1xf32>
      %add3A = arith.constant 1.000000e-10 : f32
      %add3A_74 = vector.broadcast %add3A : f32 to vector<1024x1xf32>
      %add3A_75 = arith.addf %mul3A_73, %add3A_74 : vector<1024x1xf32>
      %log3A = math.log %add3A_75 : vector<1024x1xf32>
      %mul3A_76 = arith.mulf %mul3A_73, %log3A : vector<1024x1xf32>
      %reduce_sum3A_77 = vector.shape_cast %mul3A_76 : vector<1024x1xf32> to vector<1x1024x1xf32>
      %reduce_sum3A_78 = arith.constant dense<0.000000e+00> : vector<1xf32>
      %reduce_sum3A_79 = vector.multi_reduction <add>, %reduce_sum3A_77, %reduce_sum3A_78 [1, 2] : vector<1x1024x1xf32> to vector<1xf32>
      %reduce_sum3A_80 = vector.shape_cast %reduce_sum3A_79 : vector<1xf32> to vector<1x1x1xf32>
      %reduce_sum3A_81 = vector.extract %reduce_sum3A_80[0, 0, 0] : f32 from vector<1x1x1xf32>
      %neg3A = arith.constant 0.000000e+00 : f32
      %neg3A_82 = arith.subf %neg3A, %reduce_sum3A_81 : f32
      %exp3A = math.exp %neg3A_82 : f32
      %swap3A_83 = arith.constant 0 : index
      %swap3A_84 = arith.constant 0 : index
      %swap3A_85 = memref.load %arg5[%swap3A_83, %swap3A_84] : memref<1x1xf32, #tpu.memory_space<smem>>
      memref.store %exp3A, %arg5[%swap3A_83, %swap3A_84] : memref<1x1xf32, #tpu.memory_space<smem>>
    } else {
    }
    return
  }
  func.func @transform_0(%arg0: i32) -> (i32, i32) {
    %c0_i32 = arith.constant 0 : i32
    %c0_i32_0 = arith.constant 0 : i32
    return %arg0, %c0_i32 : i32, i32
  }
  func.func @transform_1(%arg0: i32) -> (i32, i32) {
    %c0_i32 = arith.constant 0 : i32
    %c0_i32_0 = arith.constant 0 : i32
    %c0_i32_1 = arith.constant 0 : i32
    return %c0_i32, %c0_i32_0 : i32, i32
  }
  func.func @transform_2(%arg0: i32) -> (i32, i32, i32) {
    %c0_i32 = arith.constant 0 : i32
    %c0_i32_0 = arith.constant 0 : i32
    %c0_i32_1 = arith.constant 0 : i32
    return %arg0, %c0_i32, %c0_i32_0 : i32, i32, i32
  }
  func.func @transform_3(%arg0: i32) -> (i32, i32) {
    %c0_i32 = arith.constant 0 : i32
    %c0_i32_0 = arith.constant 0 : i32
    %c0_i32_1 = arith.constant 0 : i32
    return %c0_i32, %c0_i32_0 : i32, i32
  }
  func.func @transform_4(%arg0: i32) -> (i32, i32) {
    %c0_i32 = arith.constant 0 : i32
    %c0_i32_0 = arith.constant 0 : i32
    %c0_i32_1 = arith.constant 0 : i32
    return %c0_i32, %c0_i32_0 : i32, i32
  }
}

</mosaic_0001>

<sc_bundles>
// kernel: kernel.4.cloned.1.call-start
scs
__scs_entry_jumppad:
0x0: {  	(pc) =	sbr.rel $0x88, $3  }
0x1: {  	(tag) =	ssettag $0x0;
	lr =	simm.s32 $0x1  }
0x2: {  	[smem:$0x3F9F] =	sst lr;
	_ =	strace $0xD0000000  }
0x3: {  	_ = 	snop  }
0x4: {  	_ = 	snop  }
0x5: {  	_ = 	snop  }
0x6: {  	_ = 	snop  }
0x7: {  	_ = 	snop  }
__scs_overlays_trampoline_lowered:
0x8: {  	[smem:$0x3FAE] =	sst s0  }
0x9: {  	[smem:$0x3FAF] =	sst s1  }
0xa: {  	[smem:$0x3FB0] =	sst s2  }
0xb: {  	[smem:$0x3FB1] =	sst s3  }
0xc: {  	[smem:$0x3FB2] =	sst s4  }
0xd: {  	[smem:$0x3FB3] =	sst s5  }
0xe: {  	[smem:$0x3FB4] =	sst s6  }
0xf: {  	[smem:$0x3FB5] =	sst s7  }
0x10: {  	[smem:$0x3FB6] =	sst s8  }
0x11: {  	[smem:$0x3FB7] =	sst s9;
	s0 =	simm.s32 @!p0 $0x0  }
0x12: {  	s1 =	sld [smem:$0x3F9D];
	s0 =	simm.s32 @p0 $0x1  }
0x13: {  	[smem:$0x3FB8] =	sst s0;
	s0 =	simm.s32 @!p1 $0x0  }
0x14: {  	s2 =	sld [smem:$0x3F9C];
	s0 =	simm.s32 @p1 $0x1  }
0x15: {  	[smem:$0x3FB9] =	sst s0;
	s0 =	simm.s32 @!p2 $0x0  }
0x16: {  	s3 =	sld [smem:$0x3FDB];
	s0 =	simm.s32 @p2 $0x1  }
0x17: {  	s4 =	simm.s32 $0x1BF5;
	[smem:$0x3FBB] =	sst s0  }
0x18: {  	s0 =	sld [smem:$0x3F9E];
	_ =	swait.ge [sflag:s4], $0x0  }
0x19: {  	s7 =	sld [smem:$0x3F9F]  }
0x1a: {  	s8 =	sadd.s32 $0xFFFFE003, lr  }
0x1b: {  	s9 =	sadd.s32 $0xFFFFFEF7, lr;
	s5 =	simm.s32 $0xFFFFFFFF;
	p2 =	slt.u32 s8, $0xFFFFF086  }
0x1c: {  	p1 =	slt.u32 s9, $0xF7A;
	s5 =	simm.s32 @!p2 $0x0  }
0x1d: {  	s5 =	simm.s32 @p1 $0x1;
	p0 =	seq.s32 s7, s2  }
0x1e: {  	s7 =	smul.u32 @!p0 $0xF7A, s2;
	p2 =	seq.s32 @!p0 s5, $0x0  }
0x1f: {  	s9 =	smul.u32 $0xF7A, s1;
	s8 =	simm.s32 @!p0 $0x1BF5;
	p2 =	por !p2, p0  }
0x20: {  	[sflag:s8] =	ssyncset.s32 @!p0 $0xFFFFF086;
	s6 =	sadd.s32 @!p0 s3, s7;
	s7 =	simm.s32 @!p0 $0x108  }
0x21: {  	s3 =	sadd.s32 s3, s9;
	s6 =	sadd.s32 @!p0 $0x88, s6;
	s7 =	simm.s32 @p2 $0x1082  }
0x22: {  	[simem:s7], [sflag:s8] =	dma.local @!p0 [hbm:s6], $0xF7A  }
0x23: {  	s9 =	sor.u32 $0xD0000000, s2;
	s6 =	simm.s32 $0x108;
	_ =	swait.ge @!p0 [sflag:s8], $0x0  }
0x24: {  	s3 =	sadd.s32 $0x88, s3;
	s6 =	simm.s32 @!p1 $0x1082;
	[sflag:s4] =	ssyncset.s32 $0xFFFFF086  }
0x25: {  	[simem:s6], [sflag:s4] =	dma.local [hbm:s3], $0xF7A  }
0x26: {  	[smem:$0x3F9F] =	sst s1;
	(tag) =	ssettag s2;
	_ =	strace s9  }
0x27: {  	s1 =	sld [smem:$0x3FAF]  }
0x28: {  	s2 =	sld [smem:$0x3FB0]  }
0x29: {  	s4 =	sld [smem:$0x3FB2]  }
0x2a: {  	p0 =	seq.s32 s5, $0x0;
	s5 =	sld [smem:$0x3FB3]  }
0x2b: {  	s6 =	sld [smem:$0x3FB4]  }
0x2c: {  	s7 =	sld [smem:$0x3FB5]  }
0x2d: {  	s3 =	simm.s32 $0x108;
	s8 =	sld [smem:$0x3FB6]  }
0x2e: {  	s3 =	simm.s32 @!p0 $0x1082;
	s9 =	sld [smem:$0x3FB7]  }
0x2f: {  	lr =	sadd.s32 s0, s3;
	s0 =	sld [smem:$0x3FAE]  }
0x30: {  	s3 =	sld [smem:$0x3FB1]  }
0x31: {  	[smem:$0x3FBA] =	sst s10  }
0x32: {  	s10 =	sld [smem:$0x3FB8];
	_ =	sdelay $0x3  }
0x33: {  	p0 =	seq.s32 s10, $0x1;
	s10 =	sld [smem:$0x3FBA];
	_ =	sdelay $0x3  }
0x34: {  	[smem:$0x3FBA] =	sst s10  }
0x35: {  	s10 =	sld [smem:$0x3FB9];
	_ =	sdelay $0x3  }
0x36: {  	p1 =	seq.s32 s10, $0x1;
	s10 =	sld [smem:$0x3FBA];
	_ =	sdelay $0x3  }
0x37: {  	[smem:$0x3FBA] =	sst s10  }
0x38: {  	s10 =	sld [smem:$0x3FBB]  }
0x39: {  	_ = 	snop;
	(pc) =	sbr.ind lr, $3  }
0x3a: {  	_ = 	snop  }
0x3b: {  	_ = 	snop  }
0x3c: {  	p2 =	seq.s32 s10, $0x1;
	s10 =	sld [smem:$0x3FBA]  }
0x3d: {  	_ =	shalt  }
0x3e: {  	_ =	shalt  }
0x3f: {  	_ =	shalt  }
0x40: {  	_ =	shalt  }
0x41: {  	_ =	shalt  }
0x42: {  	_ =	shalt  }
0x43: {  	_ =	shalt  }
0x44: {  	_ =	shalt  }
0x45: {  	_ =	shalt  }
0x46: {  	_ =	shalt  }
0x47: {  	_ =	shalt  }
0x48: {  	_ =	shalt  }
0x49: {  	_ =	shalt  }
0x4a: {  	_ =	shalt  }
0x4b: {  	_ =	shalt  }
0x4c: {  	_ =	shalt  }
0x4d: {  	_ =	shalt  }
0x4e: {  	_ =	shalt  }
0x4f: {  	_ =	shalt  }
0x50: {  	_ =	shalt  }
0x51: {  	_ =	shalt  }
0x52: {  	_ =	shalt  }
0x53: {  	_ =	shalt  }
0x54: {  	_ =	shalt  }
0x55: {  	_ =	shalt  }
0x56: {  	_ =	shalt  }
0x57: {  	_ =	shalt  }
0x58: {  	_ =	shalt  }
0x59: {  	_ =	shalt  }
0x5a: {  	_ =	shalt  }
0x5b: {  	_ =	shalt  }
0x5c: {  	_ =	shalt  }
0x5d: {  	_ =	shalt  }
0x5e: {  	_ =	shalt  }
0x5f: {  	_ =	shalt  }
0x60: {  	_ =	shalt  }
0x61: {  	_ =	shalt  }
0x62: {  	_ =	shalt  }
0x63: {  	_ =	shalt  }
0x64: {  	_ =	shalt  }
0x65: {  	_ =	shalt  }
0x66: {  	_ =	shalt  }
0x67: {  	_ =	shalt  }
0x68: {  	_ =	shalt  }
0x69: {  	_ =	shalt  }
0x6a: {  	_ =	shalt  }
0x6b: {  	_ =	shalt  }
0x6c: {  	_ =	shalt  }
0x6d: {  	_ =	shalt  }
0x6e: {  	_ =	shalt  }
0x6f: {  	_ =	shalt  }
0x70: {  	_ =	shalt  }
0x71: {  	_ =	shalt  }
0x72: {  	_ =	shalt  }
0x73: {  	_ =	shalt  }
0x74: {  	_ =	shalt  }
0x75: {  	_ =	shalt  }
0x76: {  	_ =	shalt  }
0x77: {  	_ =	shalt  }
0x78: {  	_ =	shalt  }
0x79: {  	_ =	shalt  }
0x7a: {  	_ =	shalt  }
0x7b: {  	_ =	shalt  }
0x7c: {  	_ =	shalt  }
0x7d: {  	_ =	shalt  }
0x7e: {  	_ =	shalt  }
0x7f: {  	_ =	shalt  }
0x80: {  	_ =	shalt  }
0x81: {  	_ =	shalt  }
0x82: {  	_ =	shalt  }
0x83: {  	_ =	shalt  }
0x84: {  	_ =	shalt  }
0x85: {  	_ =	shalt  }
0x86: {  	_ =	shalt  }
0x87: {  	_ =	shalt  }
.Lfunc_end0:
.L_simem_size_0:
called_computation_lowered:
.L_overlay_start_0:
0x88: {  	s2 =	sld [smem:$0x3FD9]  }
0x89: {  	s3 =	sld [smem:$0x3FFE];
	_ =	sdelay $0x1  }
0x8a: {  	s1 =	srdreg.scid  }
0x8b: {  	s0 =	sand.u32 $0x1, s1  }
0x8c: {  	s15 =	sshll.u32 s0, $0xA;
	s2 =	sadd.s32 s3, s2  }
0x8d: {  	s2 =	sadd.s32 s2, s15  }
0x8e: {  	[smem:$0x3FC6] =	sst s2  }
0x8f: {  	_ = 	snop  }
0x90: {  	s2 =	sld [smem:$0x3FD0];
	_ =	sdelay $0x2  }
0x91: {  	s4 =	simm.s32 $0xA;
	s5 =	simm.s32 $0x10;
	s16 =	sld [smem:$0x3FC8]  }
0x92: {  	[smem:s5], [sflag:s4] =	dma.local [hbm:s2], $0x1  }
0x93: {  	_ =	swait.eq [sflag:s4], $0x1  }
0x94: {  	[sflag:s4] =	ssyncset.done $0x0  }
0x95: {  	s17 =	sld [smem:$0x10];
	[sflag:s4] =	ssyncadd.s32 $0xFFFFFFFF  }
0x96: {  	s18 =	sld [smem:$0x12];
	(tm) =	ssettm $0x1  }
0x97: {  	s19 =	sld [smem:$0x3FFB];
	_ =	sdelay $0x3  }
0x98: {  	_ =	strace s19  }
0x99: {  	s5 =	sld [smem:$0x3FFC];
	_ =	sdelay $0x3  }
0x9a: {  	_ =	strace s5  }
0x9b: {  	s5 =	sld [smem:$0x3FFD];
	_ =	sdelay $0x3  }
0x9c: {  	_ =	strace s5  }
0x9d: {  	_ =	strace $0x8FFFFFFF  }
0x9e: {  	s20 =	sld [smem:$0x3FDB];
	_ =	sdelay $0x1  }
0x9f: {  	s6 =	simm.s32 $_scs_section_size  }
0xa0: {  	s7 =	simm.s32 $_size__tile_overlayer_lowered;
	s8 =	simm.s32 $_tile_overlayer_lowered  }
0xa1: {  	s23 =	simm.s32 $0x1BFF;
	s22 =	sshll.u32 s8, $0x1;
	s5 =	sadd.s32 s6, s20  }
0xa2: {  	s9 =	simm.s32 $0x0;
	s21 =	sshll.u32 s7, $0x1;
	s7 =	sadd.s32 s22, s5  }
0xa3: {  	[timem:s9], [sflag:s23] =	dma.local [hbm:s7], s21  }
0xa4: {  	_ =	swait.ge [sflag:s23], s21  }
0xa5: {  	s6 =	ssub.s32 $0x0, s21;
	[sflag:s23] =	ssyncset.done $0x0  }
0xa6: {  	[sflag:s23] =	ssyncadd.s32 s6;
	_ =	sdelay $0x1  }
0xa7: {  	s24 =	simm.s32 $0x1B8B  }
0xa8: {  	_ =	swait.ge [sflag:s24], $0x1  }
0xa9: {  	[sflag:s24] =	ssyncset.done $0x0  }
0xaa: {  	s25 =	simm.s32 $0x1B8E;
	[sflag:s24] =	ssyncadd.s32 $0xFFFFFFFF  }
0xab: {  	s26 =	simm.s32 $execute0_lowered;
	[smem:$0x3FD2] =	sst s25  }
0xac: {  	s6 =	sshll.u32 s26, $0x1;
	_ =	strace $0x80000046;
	[dreg:$0x1] =	wrdreg $0xFFFFFFFF  }
0xad: {  	s28 =	simm.s32 $_size_execute0_lowered;
	s5 =	sadd.s32 s5, s6;
	[dreg:$0x0] =	wrdreg $0x0  }
0xae: {  	s6 =	sshll.u32 s28, $0x1;
	[dreg:$0x2] =	wrdreg s5  }
0xaf: {  	[dreg:$0x3] =	wrdreg s6  }
0xb0: {  	[dreg:$0x4] =	wrdreg $0xC0  }
0xb1: {  	_ =	task [dreg:s9], $0x5FFFF  }
0xb2: {  	[dreg:$0x1] =	wrdreg $0xFFFFFFFF  }
0xb3: {  	[dreg:$0x0] =	wrdreg $0x60  }
0xb4: {  	[dreg:$0x2] =	wrdreg s16  }
0xb5: {  	[dreg:$0x3] =	wrdreg s18  }
0xb6: {  	[dreg:$0x4] =	wrdreg s17  }
0xb7: {  	[dreg:$0x5] =	wrdreg $0x9  }
0xb8: {  	_ =	task.clear_ibuf [dreg:s9], $0x6FFFF;
	_ =	strace $0x90000046  }
0xb9: {  	s29 =	simm.s32 $0x9;
	_ =	strace $0x80000048  }
0xba: {  	_ =	swait.ge [sflag:s29], $0x1  }
0xbb: {  	[sflag:s29] =	ssyncadd.s32 $0xFFFFFFFF  }
0xbc: {  	_ =	strace $0x90000048  }
0xbd: {  	_ =	sfence  }
0xbe: {  	s30 =	sld [smem:$0x0];
	_ =	sdelay $0x2  }
0xbf: {  	s31 =	sshll.u32 s1, $0xD;
	s1 =	sshrl.u32 s1, $0x2  }
0xc0: {  	s3 =	sand.u32 $0x4000, s31;
	s1 =	sadd.s32 s1, s30  }
0xc1: {  	s0 =	sor.u32 s3, s0;
	s1 =	sshll.u32 s1, $0x11  }
0xc2: {  	s0 =	sor.u32 s1, s0  }
0xc3: {  	s0 =	sadd.s32 $0x8F2B, s0  }
0xc4: {  	[sflag:s0] =	ssyncadd.remote.s32 $0x1  }
0xc5: {  	_ =	sfence.sel $0xFFFF  }
0xc6: {  	[dreg:$0x0] =	wrdreg $0xFFFFFFFF;
	(pc) =	sbr.abs _section_cstart, $3  }
0xc7: {  	[dreg:$0x1] =	wrdreg $0xFFFFFFFF  }
0xc8: {  	_ =	task.clear_ibuf [dreg:s9], $0x2FFFF;
	_ =	strace $0x9FFFFFFF  }
0xc9: {  	(tm) =	ssettm $0x7FFFFFFF  }
tec
execute0_lowered:
.L_overlay_start_1:
0x0: {  	(tag) =	ssettag $0x1  }
0x1: {  	s1 =	rddreg [dreg:$0x0]  }
0x2: {  	s0 =	stileid.u32;
	s6 =	rddreg [dreg:$0x1]  }
0x3: {  	s2 =	srdreg.scid;
	s8 =	rddreg [dreg:$0x2];
	s14 =	simm.s32 $0x1A80  }
0x4: {  	s15 =	simm.s32 $0x2280;
	s16 =	simm.s32 $0x2A80;
	s17 =	simm.s32 $0x3280  }
0x5: {  	s18 =	simm.s32 $0x3A80;
	s19 =	simm.s32 $0x4280;
	s20 =	simm.s32 $0x4A80  }
0x6: {  	s21 =	simm.s32 $0x5280;
	s22 =	simm.s32 $0x5A80;
	s23 =	simm.s32 $0x6280  }
0x7: {  	s24 =	simm.s32 $0x6A80;
	s25 =	simm.s32 $0x7280;
	s26 =	simm.s32 $0x7A80  }
0x8: {  	s28 =	simm.s32 $0x8280;
	s29 =	simm.s32 $0x8A80;
	s30 =	simm.s32 $0x1  }
0x9: {  	s3 =	sshll.u32 s0, $0x1;
	s5 =	sand.u32 $0x1, s2;
	s9 =	sshrl.u32 s0, $0x1  }
0xa: {  	s2 =	rddreg [dreg:$0x3];
	s3 =	sand.u32 $0x2, s3;
	s10 =	smul.u32 $0x24000, s9  }
0xb: {  	s11 =	ssub.s32 $0x2, s5;
	s9 =	smul.u32 $0x50, s9;
	s7 =	sor.u32 s5, s3  }
0xc: {  	s3 =	simm.s32 $0x0;
	s12 =	sshrl.u32 s11, $0x1;
	s4 =	smul.u32 $0x90, s7  }
0xd: {  	[smem:$0x7FF] =	sst s3;
	s7 =	smul.u32 $0x9000, s7;
	s11 =	ssub.s32 s11, s12  }
0xe: {  	s6 =	sadd.s32 s6, s9;
	s12 =	simm.s32 $0xA80;
	s5 =	sadd.s32 $0x48, s4  }
0xf: {  	_ =	strace $0x80000047;
	s7 =	sadd.s32 s10, s7;
	s13 =	sshll.u32 s5, $0x8  }
0x10: {  	v2 =	vlaneseq.u32;
	s9 =	smax.u32 s11, $0x1;
	s7 =	sshrl.u32 s7, $0x3;
	s10 =	sadd.s32 s10, s13  }
0x11: {  	vm0 =	vmmov $0xffff;
	v1 =	vshrl.u32 v2, $0x3;
	s11 =	simm.s32 $0x280;
	s7 =	sadd.s32 s8, s7;
	s10 =	sshrl.u32 s10, $0x3  }
0x12: {  	v0 =	vand.u32 $0x7, v2;
	v2 =	vor.u32 $0x8, v2;
	v1 =	vmul.u32 $0x8, v1;
	s13 =	simm.s32 $0x1280;
	s8 =	sadd.s32 s8, s10;
	s10 =	simm.s32 $0x2  }
.LBB2_1:
0x13: {  	[tilespmem:s3], [sflag:$0x2] =	stream.linear.gather [hbm4b:s6+s3], $0x280, $0x38;
	[tilespmem:$0x9280] =	vst v63  }
0x14: {  	_ =	swait.ge [sflag:s10], $0x280  }
0x15: {  	[sflag:s10] =	ssyncset.done $0x0  }
0x16: {  	[sflag:s10] =	ssyncadd.s32 $0xFFFFFD80  }
0x17: {  	v3 =	vld [tilespmem:s4+$0x0];
	_ =	sdelay $0x4  }
0x18: {  	v4 =	vshll.u32 v3, $0x1  }
0x19: {  	v3 =	vand.u32 $0x7, v3;
	v4 =	vand.u32 $0xFFFFFFF0, v4  }
0x1a: {  	v3 =	vor.u32 v3, v4  }
0x1b: {  	v4 =	vperm.xlane v3, v0;
	_ =	sdelay $0x1  }
0x1c: {  	v3 =	vperm.xlane v3, v2;
	v4 =	vadd.s32 v1, v4;
	_ =	sdelay $0x1  }
0x1d: {  	v3 =	vadd.s32 v1, v3;
	_ =	sdelay $0x2  }
0x1e: {  	[tilespmem:s11], [sflag:$0x1] =	stream.indirect_vreg.gather [hbm4b:s1+s3], $0x80, v4, vm0, $0xb8;
	[tilespmem:$0x9280] =	vst v63  }
0x1f: {  	_ = 	snop  }
0x20: {  	[tilespmem:s12], [sflag:$0x1] =	stream.indirect_vreg.gather [hbm4b:s1+s3], $0x80, v3, vm0, $0xb8;
	[tilespmem:$0x9280] =	vst v63  }
0x21: {  	v3 =	vld [tilespmem:s4+$0x10];
	_ =	sdelay $0x4  }
0x22: {  	v55 =	vshll.u32 v3, $0x1  }
0x23: {  	v3 =	vand.u32 $0x7, v3;
	v4 =	vand.u32 $0xFFFFFFF0, v55  }
0x24: {  	v3 =	vor.u32 v3, v4  }
0x25: {  	v4 =	vperm.xlane v3, v0;
	_ =	sdelay $0x1  }
0x26: {  	v3 =	vperm.xlane v3, v2;
	v4 =	vadd.s32 v1, v4;
	_ =	sdelay $0x1  }
0x27: {  	v3 =	vadd.s32 v1, v3;
	_ =	sdelay $0x2  }
0x28: {  	[tilespmem:s13], [sflag:$0x1] =	stream.indirect_vreg.gather [hbm4b:s1+s3], $0x80, v4, vm0, $0xb8;
	[tilespmem:$0x9280] =	vst v63  }
0x29: {  	_ = 	snop  }
0x2a: {  	[tilespmem:s14], [sflag:$0x1] =	stream.indirect_vreg.gather [hbm4b:s1+s3], $0x80, v3, vm0, $0xb8;
	[tilespmem:$0x9280] =	vst v63  }
0x2b: {  	v3 =	vld [tilespmem:s4+$0x20];
	_ =	sdelay $0x4  }
0x2c: {  	v56 =	vshll.u32 v3, $0x1  }
0x2d: {  	v3 =	vand.u32 $0x7, v3;
	v4 =	vand.u32 $0xFFFFFFF0, v56  }
0x2e: {  	v3 =	vor.u32 v3, v4  }
0x2f: {  	v4 =	vperm.xlane v3, v0;
	_ =	sdelay $0x1  }
0x30: {  	v3 =	vperm.xlane v3, v2;
	v4 =	vadd.s32 v1, v4;
	_ =	sdelay $0x1  }
0x31: {  	v3 =	vadd.s32 v1, v3;
	_ =	sdelay $0x2  }
0x32: {  	[tilespmem:s15], [sflag:$0x1] =	stream.indirect_vreg.gather [hbm4b:s1+s3], $0x80, v4, vm0, $0xb8;
	[tilespmem:$0x9280] =	vst v63  }
0x33: {  	_ = 	snop  }
0x34: {  	[tilespmem:s16], [sflag:$0x1] =	stream.indirect_vreg.gather [hbm4b:s1+s3], $0x80, v3, vm0, $0xb8;
	[tilespmem:$0x9280] =	vst v63  }
0x35: {  	v3 =	vld [tilespmem:s4+$0x30];
	_ =	sdelay $0x4  }
0x36: {  	v57 =	vshll.u32 v3, $0x1  }
0x37: {  	v3 =	vand.u32 $0x7, v3;
	v4 =	vand.u32 $0xFFFFFFF0, v57  }
0x38: {  	v3 =	vor.u32 v3, v4  }
0x39: {  	v4 =	vperm.xlane v3, v0;
	_ =	sdelay $0x1  }
0x3a: {  	v3 =	vperm.xlane v3, v2;
	v4 =	vadd.s32 v1, v4;
	_ =	sdelay $0x1  }
0x3b: {  	v3 =	vadd.s32 v1, v3;
	_ =	sdelay $0x2  }
0x3c: {  	[tilespmem:s17], [sflag:$0x1] =	stream.indirect_vreg.gather [hbm4b:s1+s3], $0x80, v4, vm0, $0xb8;
	[tilespmem:$0x9280] =	vst v63  }
0x3d: {  	_ = 	snop  }
0x3e: {  	[tilespmem:s18], [sflag:$0x1] =	stream.indirect_vreg.gather [hbm4b:s1+s3], $0x80, v3, vm0, $0xb8;
	[tilespmem:$0x9280] =	vst v63  }
0x3f: {  	v3 =	vld.msk [tilespmem:s4+$0x40], $0xff;
	_ =	sdelay $0x4  }
0x40: {  	v58 =	vshll.u32 v3, $0x1  }
0x41: {  	v3 =	vand.u32 $0x7, v3;
	v4 =	vand.u32 $0xFFFFFFF0, v58  }
0x42: {  	v3 =	vor.u32 v3, v4  }
0x43: {  	v3 =	vperm.xlane v3, v0;
	_ =	sdelay $0x1  }
0x44: {  	v3 =	vadd.s32 v1, v3;
	_ =	sdelay $0x4  }
0x45: {  	[tilespmem:s19], [sflag:$0x1] =	stream.indirect_vreg.gather [hbm4b:s1+s3], $0x80, v3, vm0, $0xb8;
	[tilespmem:$0x9280] =	vst v63  }
0x46: {  	v3 =	vld [tilespmem:s4+$0x48];
	_ =	sdelay $0x4  }
0x47: {  	v59 =	vshll.u32 v3, $0x1  }
0x48: {  	v3 =	vand.u32 $0x7, v3;
	v4 =	vand.u32 $0xFFFFFFF0, v59  }
0x49: {  	v3 =	vor.u32 v3, v4  }
0x4a: {  	v4 =	vperm.xlane v3, v0;
	_ =	sdelay $0x1  }
0x4b: {  	v3 =	vperm.xlane v3, v2;
	v4 =	vadd.s32 v1, v4;
	_ =	sdelay $0x1  }
0x4c: {  	v3 =	vadd.s32 v1, v3;
	_ =	sdelay $0x2  }
0x4d: {  	[tilespmem:s20], [sflag:$0x1] =	stream.indirect_vreg.gather [hbm4b:s1+s3], $0x80, v4, vm0, $0xb8;
	[tilespmem:$0x9280] =	vst v63  }
0x4e: {  	_ = 	snop  }
0x4f: {  	[tilespmem:s21], [sflag:$0x1] =	stream.indirect_vreg.gather [hbm4b:s1+s3], $0x80, v3, vm0, $0xb8;
	[tilespmem:$0x9280] =	vst v63  }
0x50: {  	v3 =	vld [tilespmem:s5+$0x10];
	_ =	sdelay $0x4  }
0x51: {  	v60 =	vshll.u32 v3, $0x1  }
0x52: {  	v3 =	vand.u32 $0x7, v3;
	v4 =	vand.u32 $0xFFFFFFF0, v60  }
0x53: {  	v3 =	vor.u32 v3, v4  }
0x54: {  	v4 =	vperm.xlane v3, v0;
	_ =	sdelay $0x1  }
0x55: {  	v3 =	vperm.xlane v3, v2;
	v4 =	vadd.s32 v1, v4;
	_ =	sdelay $0x1  }
0x56: {  	v3 =	vadd.s32 v1, v3;
	_ =	sdelay $0x2  }
0x57: {  	[tilespmem:s22], [sflag:$0x1] =	stream.indirect_vreg.gather [hbm4b:s1+s3], $0x80, v4, vm0, $0xb8;
	[tilespmem:$0x9280] =	vst v63  }
0x58: {  	_ = 	snop  }
0x59: {  	[tilespmem:s23], [sflag:$0x1] =	stream.indirect_vreg.gather [hbm4b:s1+s3], $0x80, v3, vm0, $0xb8;
	[tilespmem:$0x9280] =	vst v63  }
0x5a: {  	v3 =	vld [tilespmem:s5+$0x20];
	_ =	sdelay $0x4  }
0x5b: {  	v61 =	vshll.u32 v3, $0x1  }
0x5c: {  	v3 =	vand.u32 $0x7, v3;
	v4 =	vand.u32 $0xFFFFFFF0, v61  }
0x5d: {  	v3 =	vor.u32 v3, v4  }
0x5e: {  	v4 =	vperm.xlane v3, v0;
	_ =	sdelay $0x1  }
0x5f: {  	v3 =	vperm.xlane v3, v2;
	v4 =	vadd.s32 v1, v4;
	_ =	sdelay $0x1  }
0x60: {  	v3 =	vadd.s32 v1, v3;
	_ =	sdelay $0x2  }
0x61: {  	[tilespmem:s24], [sflag:$0x1] =	stream.indirect_vreg.gather [hbm4b:s1+s3], $0x80, v4, vm0, $0xb8;
	[tilespmem:$0x9280] =	vst v63  }
0x62: {  	_ = 	snop  }
0x63: {  	[tilespmem:s25], [sflag:$0x1] =	stream.indirect_vreg.gather [hbm4b:s1+s3], $0x80, v3, vm0, $0xb8;
	[tilespmem:$0x9280] =	vst v63  }
0x64: {  	v3 =	vld [tilespmem:s5+$0x30];
	_ =	sdelay $0x4  }
0x65: {  	v62 =	vshll.u32 v3, $0x1  }
0x66: {  	v3 =	vand.u32 $0x7, v3;
	v4 =	vand.u32 $0xFFFFFFF0, v62  }
0x67: {  	v3 =	vor.u32 v3, v4  }
0x68: {  	v4 =	vperm.xlane v3, v0;
	_ =	sdelay $0x1  }
0x69: {  	v3 =	vperm.xlane v3, v2;
	v4 =	vadd.s32 v1, v4;
	_ =	sdelay $0x1  }
0x6a: {  	v3 =	vadd.s32 v1, v3;
	_ =	sdelay $0x2  }
0x6b: {  	[tilespmem:s26], [sflag:$0x1] =	stream.indirect_vreg.gather [hbm4b:s1+s3], $0x80, v4, vm0, $0xb8;
	[tilespmem:$0x9280] =	vst v63  }
0x6c: {  	_ = 	snop  }
0x6d: {  	[tilespmem:s28], [sflag:$0x1] =	stream.indirect_vreg.gather [hbm4b:s1+s3], $0x80, v3, vm0, $0xb8;
	[tilespmem:$0x9280] =	vst v63  }
0x6e: {  	v3 =	vld.msk [tilespmem:s4+$0x88], $0xff;
	_ =	sdelay $0x4  }
0x6f: {  	v63 =	vshll.u32 v3, $0x1  }
0x70: {  	v3 =	vand.u32 $0x7, v3;
	v4 =	vand.u32 $0xFFFFFFF0, v63  }
0x71: {  	v3 =	vor.u32 v3, v4  }
0x72: {  	v3 =	vperm.xlane v3, v0;
	_ =	sdelay $0x1  }
0x73: {  	v3 =	vadd.s32 v1, v3;
	_ =	sdelay $0x4  }
0x74: {  	[tilespmem:s29], [sflag:$0x1] =	stream.indirect_vreg.gather [hbm4b:s1+s3], $0x80, v3, vm0, $0xb8;
	[tilespmem:$0x9280] =	vst v63  }
0x75: {  	_ =	swait.ge [sflag:s30], $0x4800  }
0x76: {  	[sflag:s30] =	ssyncset.done $0x0  }
0x77: {  	[sflag:s30] =	ssyncadd.s32 $0xFFFFB800  }
0x78: {  	_ =	swait.ge [sflag:s30], $0x4800  }
0x79: {  	[sflag:s30] =	ssyncset.done $0x0  }
0x7a: {  	[sflag:s30] =	ssyncadd.s32 $0xFFFFB800  }
0x7b: {  	[hbm4b:s7+s3] =	stream.linear.scatter [tilespmem:s11], [sflag:$0x2], $0x4800, $0x38;
	[tilespmem:$0x9280] =	vst v63  }
0x7c: {  	_ =	swait.ge [sflag:s10], $0x4800  }
0x7d: {  	p0 =	sne.s32 s9, $0x1;
	[sflag:s10] =	ssyncset.done $0x0  }
.Ltmp0:
0x7e: {  	[sflag:s10] =	ssyncadd.s32 $0xFFFFB800;
	(pc) =	sbr.rel @p0 .LBB2_1-.Ltmp0, $4  }
0x7f: {  	[hbm4b:s8+s3] =	stream.linear.scatter [tilespmem:s20], [sflag:$0x2], $0x4800, $0x38;
	[tilespmem:$0x9280] =	vst v63  }
0x80: {  	_ =	swait.ge [sflag:s10], $0x4800  }
0x81: {  	[sflag:s10] =	ssyncset.done $0x0  }
0x82: {  	s9 =	sadd.s32 $0xFFFFFFFF, s9;
	[sflag:s10] =	ssyncadd.s32 $0xFFFFB800  }
0x83: {  	_ =	sfence.sel $0x180000  }
0x84: {  	[bflag:$0x0] =	sbarrier.arrive $0xFFFF  }
0x85: {  	p0 =	sne.s32 s0, $0x0;
	_ =	strace $0x90000047  }
0x86: {  	s0 =	sadd.s32 @!p0 $0x100000, s2;
	[bflag:$0x2] =	sbarrier.arrive $0xFFFF  }
0x87: {  	[sflag:s0] =	ssyncadd.tile.s32 @!p0 $0x1;
	_ =	shalt  }
.Lfunc_end2:
_tile_overlayer_lowered:
.L_overlay_start_2:
0x88: {  	(tag) =	ssettag $0x2  }
0x89: {  	s0 =	rddreg [dreg:$0x0];
	s2 =	stileid.u32  }
0x8a: {  	s1 =	rddreg [dreg:$0x1];
	p0 =	sne.s32 s2, $0x0  }
0x8b: {  	s3 =	rddreg [dreg:$0x2];
	[bflag:$0x3] =	sbarrier.arrive $0xFFFF;
	s2 =	simm.s32 @!p0 $0x1C02  }
0x8c: {  	[timem:s3], [sflag:s2] =	dma.local @!p0 [hbm:s0], s1  }
0x8d: {  	s0 =	simm.s32 @!p0 $0x2  }
0x8e: {  	_ =	swait.ge @!p0 [sflag:s0], s1  }
0x8f: {  	s1 =	ssub.s32 @!p0 $0x0, s1;
	[sflag:s0] =	ssyncset.done @!p0 $0x0  }
0x90: {  	[sflag:s0] =	ssyncadd.s32 @!p0 s1  }
0x91: {  	[bflag:$0x3] =	sbarrier.arrive $0xFFFF  }
0x92: {  	_ =	shalt  }

</sc_bundles>
